<compile_context>
chip_gen: v7x
topology: tpu7x:2x2x1
jax: 0.10.2.dev20260603
libtpu: 0.0.44.dev20260713+nightly
codegen_flags: <defaults>
</compile_context>

<pallas_src>
import functools

import jax
import jax.numpy as jnp
from jax import lax
from jax.experimental import pallas as pl
from jax.experimental.pallas import tpu as pltpu
from jax.experimental.pallas import tpu_sc as plsc

N = 100000
E = 6400000
P = 8
ES = 800000
D = 3
K = 80000

NC = 2
NS = 16
NW = NC * NS
LANE = 128
ROWS = ES // LANE
RPW = (ROWS + NW - 1) // NW
NSLAB = N // 4
FW = 8


def _seg_sum_body(table_hbm, sidx_hbm, didx_hbm, zeros_hbm, out_hbm,
                  acc, s_v, d_v, rows_v, gsem):
    c = lax.axis_index("c")
    s_ax = lax.axis_index("s")
    w = s_ax * NC + c
    for p in range(P):
        @pl.when(s_ax % 4 == 0)
        def _(p=p):
            q = s_ax // 4
            pltpu.sync_copy(zeros_hbm.at[pl.ds(q * NSLAB, NSLAB)],
                            acc.at[pl.ds(q * NSLAB, NSLAB)])
        plsc.subcore_barrier()

        def edge_body(jj, carry, p=p):
            row = jj * NW + w

            @pl.when(row < ROWS)
            def _():
                pltpu.sync_copy(sidx_hbm.at[p, row], s_v)
                pltpu.sync_copy(didx_hbm.at[p, row], d_v)
                pltpu.async_copy(table_hbm.at[s_v], rows_v, gsem).wait()
                pltpu.sync_copy(rows_v, acc.at[d_v], add=True)
            return carry

        lax.fori_loop(0, RPW, edge_body, 0)
        plsc.subcore_barrier()

        @pl.when(s_ax % 4 == 0)
        def _(p=p):
            q = s_ax // 4
            pltpu.sync_copy(acc.at[pl.ds(q * NSLAB, NSLAB)],
                            out_hbm.at[c, p, pl.ds(q * NSLAB, NSLAB)])


ROWS_E = E // LANE
RPW_E = (ROWS_E + NW - 1) // NW


def _edge_gather_body(table_hbm, sidx_hbm, out_hbm, s_v, rows_v, gsem):
    c = lax.axis_index("c")
    s_ax = lax.axis_index("s")
    w = s_ax * NC + c

    def edge_body(jj, carry):
        row = jj * NW + w

        @pl.when(row < ROWS_E)
        def _():
            pltpu.sync_copy(sidx_hbm.at[row], s_v)
            pltpu.async_copy(table_hbm.at[s_v], rows_v, gsem).wait()
            pltpu.sync_copy(rows_v, out_hbm.at[pl.ds(row * LANE, LANE)])
        return carry

    lax.fori_loop(0, RPW_E, edge_body, 0)


@functools.partial(jax.jit, static_argnums=())
def _edge_gather(table, sidx):
    mesh = plsc.VectorSubcoreMesh(core_axis_name="c", subcore_axis_name="s")
    return pl.kernel(
        _edge_gather_body,
        out_type=jax.ShapeDtypeStruct((E, FW), jnp.float32),
        mesh=mesh,
        compiler_params=pltpu.CompilerParams(use_tc_tiling_on_sc=False),
        scratch_types=[
            pltpu.VMEM((LANE,), jnp.int32),
            pltpu.VMEM((LANE, FW), jnp.float32),
            pltpu.SemaphoreType.DMA,
        ],
    )(table, sidx)


@functools.partial(jax.jit, static_argnums=())
def _pathway_seg_sums(table, sidx, didx):
    zeros = jnp.zeros((N, FW), jnp.float32)
    mesh = plsc.VectorSubcoreMesh(core_axis_name="c", subcore_axis_name="s")
    out = pl.kernel(
        _seg_sum_body,
        out_type=jax.ShapeDtypeStruct((NC, P, N, FW), jnp.float32),
        mesh=mesh,
        compiler_params=pltpu.CompilerParams(use_tc_tiling_on_sc=False),
        scratch_types=[
            pltpu.VMEM_SHARED((N, FW), jnp.float32),
            pltpu.VMEM((LANE,), jnp.int32),
            pltpu.VMEM((LANE,), jnp.int32),
            pltpu.VMEM((LANE, FW), jnp.float32),
            pltpu.SemaphoreType.DMA,
        ],
    )(table, sidx, didx, zeros)
    return out[0] + out[1]


def _combine_body(readout_ref, linW_ref, linb_ref, mlpW_ref, mlpb_ref, out_ref):
    ro = readout_ref[...]
    lw = linW_ref[...]
    r = jax.nn.relu(ro @ lw + linb_ref[...])
    logit = jnp.sum(r * mlpW_ref[...], axis=0, keepdims=True) + mlpb_ref[...]
    out_ref[...] = jax.nn.sigmoid(logit)


def kernel(x, edge_index, sub_edge_index, W_pool, b_pool, W_l, b_l, W_r,
           sub_Wl, sub_bl, sub_Wr, pool_Wrel, pool_brel, pool_Wroot,
           gate_W, gate_b, lin_W, lin_b, mlp_W, mlp_b):
    mnode = jax.nn.relu(x @ W_pool + b_pool)
    mtab = jnp.pad(mnode, ((0, 0), (0, FW - D)))
    evals = _edge_gather(mtab, edge_index[0].reshape(ROWS_E, LANE))[:, :D]
    agg = jnp.maximum(mnode, jax.ops.segment_max(evals, edge_index[1], num_segments=N))
    h = jnp.tanh(agg @ W_l + b_l + x @ W_r)

    shift = (jnp.arange(P, dtype=jnp.int32) * N)[:, None, None]
    sidx = sub_edge_index[:, 0, :].reshape(P, ROWS, LANE) + shift
    didx = sub_edge_index[:, 1, :].reshape(P, ROWS, LANE)

    z8 = jnp.concatenate(
        [jnp.einsum("nd,pde->pne", h, sub_Wl), jnp.ones((P, N, 1), jnp.float32),
         jnp.zeros((P, N, FW - 4), jnp.float32)], axis=2).reshape(P * N, FW)
    acc = _pathway_seg_sums(z8, sidx, didx)
    cnt = jnp.maximum(acc[:, :, 3], 1.0)
    x1 = jax.nn.relu(acc[:, :, :3] / cnt[:, :, None] + sub_bl[:, None, :]
                     + jnp.einsum("nd,pde->pne", h, sub_Wr))

    y1 = jnp.einsum("pnd,pde->pne", x1, pool_Wrel)
    y8 = jnp.pad(y1, ((0, 0), (0, 0), (0, FW - 1))).reshape(P * N, FW)
    acc2 = _pathway_seg_sums(y8, sidx, didx)
    score = (acc2[:, :, 0] + pool_brel[:, :1]
             + jnp.einsum("pnd,pde->pne", x1, pool_Wroot)[:, :, 0])

    topv = jax.lax.top_k(score, K)[0]
    t = topv[:, K - 1:K]
    gt = (score > t).astype(jnp.float32)
    eq = (score == t).astype(jnp.float32)
    f = (K - jnp.sum(gt, axis=1, keepdims=True)) / jnp.sum(eq, axis=1, keepdims=True)
    w = gt + f * eq
    xp = x1 * jnp.tanh(score)[:, :, None]
    g = jnp.einsum("pnd,pde->pne", xp, gate_W)[:, :, 0] + gate_b[:, :1]
    M = jnp.max(jnp.where(w > 0, g, -jnp.inf), axis=1, keepdims=True)
    e = w * jnp.exp(g - M)
    V = jnp.einsum("pn,pnd->pd", e, xp)
    readout = jax.nn.relu(V / jnp.sum(e, axis=1, keepdims=True))

    return pl.pallas_call(
        _combine_body,
        out_shape=jax.ShapeDtypeStruct((1, 1), jnp.float32),
    )(readout, lin_W, lin_b.reshape(1, 1), mlp_W, mlp_b.reshape(1, 1))

# --- scband reference (transcript-rebuilt; emitter-appended) ---
"""Pipeline reference for scband-deep-moi-33114197852442 (READ-ONLY COPY).

The authoritative reference and input builder live on the scoring server;
editing this copy changes nothing except your own understanding.
"""

import jax, jax.numpy as jnp
import numpy as np

N = 100000
E = 6400000
P = 8
ES = 800000
D = 3
K = int(np.ceil(0.8 * N))


def _params(key):
    ks = jax.random.split(key, 12)
    s = 0.5
    p = {}
    p['W_pool'] = s * jax.random.normal(ks[0], (D, D), dtype=jnp.float32)
    p['b_pool'] = jnp.zeros((D,), dtype=jnp.float32)
    p['W_l'] = s * jax.random.normal(ks[1], (D, D), dtype=jnp.float32)
    p['b_l'] = jnp.zeros((D,), dtype=jnp.float32)
    p['W_r'] = s * jax.random.normal(ks[2], (D, D), dtype=jnp.float32)
    p['sub_Wl'] = s * jax.random.normal(ks[3], (P, D, D), dtype=jnp.float32)
    p['sub_bl'] = jnp.zeros((P, D), dtype=jnp.float32)
    p['sub_Wr'] = s * jax.random.normal(ks[4], (P, D, D), dtype=jnp.float32)
    p['pool_Wrel'] = s * jax.random.normal(ks[5], (P, D, 1), dtype=jnp.float32)
    p['pool_brel'] = jnp.zeros((P, 1), dtype=jnp.float32)
    p['pool_Wroot'] = s * jax.random.normal(ks[6], (P, D, 1), dtype=jnp.float32)
    p['gate_W'] = s * jax.random.normal(ks[7], (P, D, 1), dtype=jnp.float32)
    p['gate_b'] = jnp.zeros((P, 1), dtype=jnp.float32)
    p['lin_W'] = s * jax.random.normal(ks[8], (D, 1), dtype=jnp.float32)
    p['lin_b'] = jnp.zeros((1,), dtype=jnp.float32)
    p['mlp_W'] = s * jax.random.normal(ks[9], (P, 1), dtype=jnp.float32)
    p['mlp_b'] = jnp.zeros((1,), dtype=jnp.float32)
    return p


def setup_inputs(seed: int = 0):
    key = jax.random.key(seed)
    k1, k2, k3, k4 = jax.random.split(key, 4)
    inp = {
        'x': jax.random.normal(k1, (N, D), dtype=jnp.float32),
        'edge_index': jax.random.randint(k2, (2, E), 0, N, dtype=jnp.int32),
        'sub_edge_index': jax.random.randint(k3, (P, 2, ES), 0, N, dtype=jnp.int32),
    }
    inp.update(_params(k4))
    return inp


def _forward(x, edge_index, sub_edge_index, W_pool, b_pool, W_l, b_l, W_r, sub_Wl, sub_bl, sub_Wr, pool_Wrel, pool_brel, pool_Wroot, gate_W, gate_b, lin_W, lin_b, mlp_W, mlp_b):
    # add_self_loops on the main graph
    loop = jnp.arange(N, dtype=edge_index.dtype)
    src = jnp.concatenate([edge_index[0], loop])
    dst = jnp.concatenate([edge_index[1], loop])
    # main SAGEConv with 'pool' (max-pool) aggregator: x = tanh(conv(x, ei))
    m = jax.nn.relu(x[src] @ W_pool + b_pool)
    agg = jax.ops.segment_max(m, dst, num_segments=N)
    h = jnp.tanh(agg @ W_l + b_l + x @ W_r)
    readout = []
    ones = jnp.ones((ES,), dtype=h.dtype)
    for p in range(P):
        s = sub_edge_index[p, 0]
        d = sub_edge_index[p, 1]
        # PathFeature: SAGEConv (mean aggregation) on pathway subgraph, full node set
        msum = jax.ops.segment_sum(h[s], d, num_segments=N)
        cnt = jax.ops.segment_sum(ones, d, num_segments=N)
        mean = msum / jnp.maximum(cnt, 1.0)[:, None]
        x1 = jax.nn.relu(mean @ sub_Wl[p] + sub_bl[p] + h @ sub_Wr[p])
        # SAGPooling(ratio=0.8): score via GraphConv (add aggregation), top-k selection
        score = (jax.ops.segment_sum(x1[s], d, num_segments=N) @ pool_Wrel[p] + pool_brel[p] + x1 @ pool_Wroot[p])[:, 0]
        topv, perm = jax.lax.top_k(score, K)
        xp = x1[perm] * jnp.tanh(topv)[:, None]
        # GlobalAttention readout: softmax(gate_nn(x)) weighted sum
        gate = jax.nn.softmax(xp @ gate_W[p] + gate_b[p], axis=0)
        out = jnp.sum(gate * xp, axis=0, keepdims=True)
        readout.append(jax.nn.relu(out))
    readout = jnp.concatenate(readout, axis=0)  # [P, D]
    r = jax.nn.relu((readout @ lin_W + lin_b).T)  # [1, P]
    # mlp: Dropout(eval=identity) -> ReLU -> Linear(P,1) -> Sigmoid
    logit = jax.nn.sigmoid(jax.nn.relu(r) @ mlp_W + mlp_b)
    return logit


def reference(x, edge_index, sub_edge_index, W_pool, b_pool, W_l, b_l, W_r, sub_Wl, sub_bl, sub_Wr, pool_Wrel, pool_brel, pool_Wroot, gate_W, gate_b, lin_W, lin_b, mlp_W, mlp_b):
    return _forward(x, edge_index, sub_edge_index, W_pool, b_pool, W_l, b_l, W_r, sub_Wl, sub_bl, sub_Wr, pool_Wrel, pool_brel, pool_Wroot, gate_W, gate_b, lin_W, lin_b, mlp_W, mlp_b)

if __name__ == "__main__":
    import jax
    _d = setup_inputs()
    print(jax.jit(kernel)(*tuple(_d.values())))

</pallas_src>

<mosaic_0001>
#map = affine_map<(d0, d1) -> (0, 0)>
module attributes {stable_mosaic.version = 14 : i64} {
  func.func @_edge_gather_body(%arg0: i32, %arg1: i32, %arg2: memref<100000x8xf32, #tpu.memory_space<hbm>>, %arg3: memref<50000x128xi32, #tpu.memory_space<hbm>>, %arg4: memref<6400000x8xf32, #tpu.memory_space<hbm>>, %arg5: memref<128xi32, #tpu.memory_space<vmem>>, %arg6: memref<128x8xf32, #tpu.memory_space<vmem>>, %arg7: memref<!tpu.dma_semaphore, #tpu.memory_space<semaphore_mem>>) attributes {dimension_semantics = [#tpu.dimension_semantics<core_parallel>, #tpu.dimension_semantics<subcore_parallel>], iteration_bounds = array<i64: 2, 16>, scalar_prefetch = 0 : i64, scratch_operands = 3 : i64, tpu.core_type = #tpu.core_type<sc_vector_subcore>, window_params = [{transform_indices = #map}, {transform_indices = #map}, {transform_indices = #map}]} {
    %mul3A = arith.constant 2 : i32
    %mul3A_0 = arith.muli %arg1, %mul3A : i32
    %add3A = arith.addi %mul3A_0, %arg0 : i32
    %scan3A = arith.constant 0 : i32
    %scan3A_1 = arith.constant 0 : i32
    %scan3A_2 = arith.constant 1563 : i32
    %scan3A_3 = arith.addi %scan3A_1, %scan3A_2 : i32
    %scan3A_4 = arith.constant 1 : i32
    scf.for %scan3A_6 = %scan3A_1 to %scan3A_3 step %scan3A_4  : i32 {
      %mul3A_7 = arith.constant 32 : i32
      %mul3A_8 = arith.muli %scan3A_6, %mul3A_7 : i32
      %add3A_9 = arith.addi %mul3A_8, %add3A : i32
      %lt3A = arith.constant 50000 : i32
      %lt3A_10 = arith.cmpi slt, %add3A_9, %lt3A : i32
      %convert_element_type3A = arith.extui %lt3A_10 : i1 to i32
      %cond3A = arith.constant 0 : i32
      %cond3A_11 = arith.cmpi ne, %convert_element_type3A, %cond3A : i32
      scf.if %cond3A_11 {
        "tpu.region"() ({
          %run_scoped3A = tpu.sem_alloc : memref<!tpu.dma_semaphore, #tpu.memory_space<semaphore_mem>>
          %dma_start3A_18 = arith.constant 0 : i32
          %dma_start3A_19 = tpu.memref_slice %arg3[%add3A_9, %dma_start3A_18] : memref<50000x128xi32, #tpu.memory_space<hbm>> -> memref<1x128xi32, #tpu.memory_space<hbm>>
          %dma_start3A_20 = tpu.memref_squeeze %dma_start3A_19 : memref<1x128xi32, #tpu.memory_space<hbm>> -> memref<128xi32, #tpu.memory_space<hbm>>
          %dma_start3A_21 = arith.constant 0 : i32
          %dma_start3A_22 = tpu.memref_slice %arg3[%add3A_9, %dma_start3A_21] : memref<50000x128xi32, #tpu.memory_space<hbm>> -> memref<1x128xi32, #tpu.memory_space<hbm>>
          %dma_start3A_23 = tpu.memref_squeeze %dma_start3A_22 : memref<1x128xi32, #tpu.memory_space<hbm>> -> memref<128xi32, #tpu.memory_space<hbm>>
          tpu.enqueue_dma source(%dma_start3A_23 : memref<128xi32, #tpu.memory_space<hbm>>) target(%arg5 : memref<128xi32, #tpu.memory_space<vmem>>) target_semaphore(%run_scoped3A : memref<!tpu.dma_semaphore, #tpu.memory_space<semaphore_mem>>)
          %dma_wait3A_24 = arith.constant 0 : i32
          %dma_wait3A_25 = tpu.memref_slice %arg3[%add3A_9, %dma_wait3A_24] : memref<50000x128xi32, #tpu.memory_space<hbm>> -> memref<1x128xi32, #tpu.memory_space<hbm>>
          %dma_wait3A_26 = tpu.memref_squeeze %dma_wait3A_25 : memref<1x128xi32, #tpu.memory_space<hbm>> -> memref<128xi32, #tpu.memory_space<hbm>>
          %dma_wait3A_27 = arith.constant 0 : i32
          %dma_wait3A_28 = tpu.memref_slice %arg3[%add3A_9, %dma_wait3A_27] : memref<50000x128xi32, #tpu.memory_space<hbm>> -> memref<1x128xi32, #tpu.memory_space<hbm>>
          %dma_wait3A_29 = tpu.memref_squeeze %dma_wait3A_28 : memref<1x128xi32, #tpu.memory_space<hbm>> -> memref<128xi32, #tpu.memory_space<hbm>>
          tpu.wait_dma2 semaphore(%run_scoped3A : memref<!tpu.dma_semaphore, #tpu.memory_space<semaphore_mem>>) src(%dma_wait3A_29 : memref<128xi32, #tpu.memory_space<hbm>>) dst(%arg5 : memref<128xi32, #tpu.memory_space<vmem>>)
          tpu.yield
        }) : () -> ()
        %dma_start3A = arith.constant 0 : i32
        %dma_start3A_12 = arith.constant 0 : i32
        %dma_start3A_13 = tpu.memref_slice %arg2[%dma_start3A, %dma_start3A_12] : memref<100000x8xf32, #tpu.memory_space<hbm>> -> memref<100000x8xf32, #tpu.memory_space<hbm>>
        tpu.enqueue_indirect_dma source(%dma_start3A_13 : memref<100000x8xf32, #tpu.memory_space<hbm>>) target(%arg6 : memref<128x8xf32, #tpu.memory_space<vmem>>) offsets(%arg5 : memref<128xi32, #tpu.memory_space<vmem>>) semaphore(%arg7 : memref<!tpu.dma_semaphore, #tpu.memory_space<semaphore_mem>>)
        %dma_wait3A = arith.constant 0 : i32
        %dma_wait3A_14 = arith.constant 0 : i32
        %dma_wait3A_15 = tpu.memref_slice %arg2[%dma_wait3A, %dma_wait3A_14] : memref<100000x8xf32, #tpu.memory_space<hbm>> -> memref<100000x8xf32, #tpu.memory_space<hbm>>
        tpu.wait_indirect_dma semaphore(%arg7 : memref<!tpu.dma_semaphore, #tpu.memory_space<semaphore_mem>>) src(%dma_wait3A_15 : memref<100000x8xf32, #tpu.memory_space<hbm>>) dst(%arg6 : memref<128x8xf32, #tpu.memory_space<vmem>>)
        %mul3A_16 = arith.constant 128 : i32
        %mul3A_17 = arith.muli %add3A_9, %mul3A_16 : i32
        "tpu.region"() ({
          %run_scoped3A = tpu.sem_alloc : memref<!tpu.dma_semaphore, #tpu.memory_space<semaphore_mem>>
          %dma_start3A_18 = arith.constant 0 : i32
          %dma_start3A_19 = tpu.memref_slice %arg4[%mul3A_17, %dma_start3A_18] : memref<6400000x8xf32, #tpu.memory_space<hbm>> -> memref<128x8xf32, #tpu.memory_space<hbm>>
          %dma_start3A_20 = arith.constant 0 : i32
          %dma_start3A_21 = tpu.memref_slice %arg4[%mul3A_17, %dma_start3A_20] : memref<6400000x8xf32, #tpu.memory_space<hbm>> -> memref<128x8xf32, #tpu.memory_space<hbm>>
          tpu.enqueue_dma source(%arg6 : memref<128x8xf32, #tpu.memory_space<vmem>>) target(%dma_start3A_21 : memref<128x8xf32, #tpu.memory_space<hbm>>) target_semaphore(%run_scoped3A : memref<!tpu.dma_semaphore, #tpu.memory_space<semaphore_mem>>)
          %dma_wait3A_22 = arith.constant 0 : i32
          %dma_wait3A_23 = tpu.memref_slice %arg4[%mul3A_17, %dma_wait3A_22] : memref<6400000x8xf32, #tpu.memory_space<hbm>> -> memref<128x8xf32, #tpu.memory_space<hbm>>
          %dma_wait3A_24 = arith.constant 0 : i32
          %dma_wait3A_25 = tpu.memref_slice %arg4[%mul3A_17, %dma_wait3A_24] : memref<6400000x8xf32, #tpu.memory_space<hbm>> -> memref<128x8xf32, #tpu.memory_space<hbm>>
          tpu.wait_dma2 semaphore(%run_scoped3A : memref<!tpu.dma_semaphore, #tpu.memory_space<semaphore_mem>>) src(%arg6 : memref<128x8xf32, #tpu.memory_space<vmem>>) dst(%dma_wait3A_25 : memref<128x8xf32, #tpu.memory_space<hbm>>)
          tpu.yield
        }) : () -> ()
      } else {
      }
    }
    %scan3A_5 = arith.constant 1563 : i32
    return
  }
}

</mosaic_0001>

<sc_bundles>
// kernel: _edge_gather.3.cloned.1.call-start
scs
__scs_entry_jumppad:
0x0: {  	(pc) =	sbr.rel $0x88, $3  }
0x1: {  	(tag) =	ssettag $0x0;
	lr =	simm.s32 $0x1  }
0x2: {  	[smem:$0x3F9F] =	sst lr;
	_ =	strace $0xD0000000  }
0x3: {  	_ = 	snop  }
0x4: {  	_ = 	snop  }
0x5: {  	_ = 	snop  }
0x6: {  	_ = 	snop  }
0x7: {  	_ = 	snop  }
__scs_overlays_trampoline_lowered:
0x8: {  	[smem:$0x3FAE] =	sst s0  }
0x9: {  	[smem:$0x3FAF] =	sst s1  }
0xa: {  	[smem:$0x3FB0] =	sst s2  }
0xb: {  	[smem:$0x3FB1] =	sst s3  }
0xc: {  	[smem:$0x3FB2] =	sst s4  }
0xd: {  	[smem:$0x3FB3] =	sst s5  }
0xe: {  	[smem:$0x3FB4] =	sst s6  }
0xf: {  	[smem:$0x3FB5] =	sst s7  }
0x10: {  	[smem:$0x3FB6] =	sst s8  }
0x11: {  	[smem:$0x3FB7] =	sst s9;
	s0 =	simm.s32 @!p0 $0x0  }
0x12: {  	s1 =	sld [smem:$0x3F9D];
	s0 =	simm.s32 @p0 $0x1  }
0x13: {  	[smem:$0x3FB8] =	sst s0;
	s0 =	simm.s32 @!p1 $0x0  }
0x14: {  	s2 =	sld [smem:$0x3F9C];
	s0 =	simm.s32 @p1 $0x1  }
0x15: {  	[smem:$0x3FB9] =	sst s0;
	s0 =	simm.s32 @!p2 $0x0  }
0x16: {  	s3 =	sld [smem:$0x3FDB];
	s0 =	simm.s32 @p2 $0x1  }
0x17: {  	s4 =	simm.s32 $0x1BF5;
	[smem:$0x3FBB] =	sst s0  }
0x18: {  	s0 =	sld [smem:$0x3F9E];
	_ =	swait.ge [sflag:s4], $0x0  }
0x19: {  	s7 =	sld [smem:$0x3F9F]  }
0x1a: {  	s8 =	sadd.s32 $0xFFFFE003, lr  }
0x1b: {  	s9 =	sadd.s32 $0xFFFFFEF7, lr;
	s5 =	simm.s32 $0xFFFFFFFF;
	p2 =	slt.u32 s8, $0xFFFFF086  }
0x1c: {  	p1 =	slt.u32 s9, $0xF7A;
	s5 =	simm.s32 @!p2 $0x0  }
0x1d: {  	s5 =	simm.s32 @p1 $0x1;
	p0 =	seq.s32 s7, s2  }
0x1e: {  	s7 =	smul.u32 @!p0 $0xF7A, s2;
	p2 =	seq.s32 @!p0 s5, $0x0  }
0x1f: {  	s9 =	smul.u32 $0xF7A, s1;
	s8 =	simm.s32 @!p0 $0x1BF5;
	p2 =	por !p2, p0  }
0x20: {  	[sflag:s8] =	ssyncset.s32 @!p0 $0xFFFFF086;
	s6 =	sadd.s32 @!p0 s3, s7;
	s7 =	simm.s32 @!p0 $0x108  }
0x21: {  	s3 =	sadd.s32 s3, s9;
	s6 =	sadd.s32 @!p0 $0x88, s6;
	s7 =	simm.s32 @p2 $0x1082  }
0x22: {  	[simem:s7], [sflag:s8] =	dma.local @!p0 [hbm:s6], $0xF7A  }
0x23: {  	s9 =	sor.u32 $0xD0000000, s2;
	s6 =	simm.s32 $0x108;
	_ =	swait.ge @!p0 [sflag:s8], $0x0  }
0x24: {  	s3 =	sadd.s32 $0x88, s3;
	s6 =	simm.s32 @!p1 $0x1082;
	[sflag:s4] =	ssyncset.s32 $0xFFFFF086  }
0x25: {  	[simem:s6], [sflag:s4] =	dma.local [hbm:s3], $0xF7A  }
0x26: {  	[smem:$0x3F9F] =	sst s1;
	(tag) =	ssettag s2;
	_ =	strace s9  }
0x27: {  	s1 =	sld [smem:$0x3FAF]  }
0x28: {  	s2 =	sld [smem:$0x3FB0]  }
0x29: {  	s4 =	sld [smem:$0x3FB2]  }
0x2a: {  	p0 =	seq.s32 s5, $0x0;
	s5 =	sld [smem:$0x3FB3]  }
0x2b: {  	s6 =	sld [smem:$0x3FB4]  }
0x2c: {  	s7 =	sld [smem:$0x3FB5]  }
0x2d: {  	s3 =	simm.s32 $0x108;
	s8 =	sld [smem:$0x3FB6]  }
0x2e: {  	s3 =	simm.s32 @!p0 $0x1082;
	s9 =	sld [smem:$0x3FB7]  }
0x2f: {  	lr =	sadd.s32 s0, s3;
	s0 =	sld [smem:$0x3FAE]  }
0x30: {  	s3 =	sld [smem:$0x3FB1]  }
0x31: {  	[smem:$0x3FBA] =	sst s10  }
0x32: {  	s10 =	sld [smem:$0x3FB8];
	_ =	sdelay $0x3  }
0x33: {  	p0 =	seq.s32 s10, $0x1;
	s10 =	sld [smem:$0x3FBA];
	_ =	sdelay $0x3  }
0x34: {  	[smem:$0x3FBA] =	sst s10  }
0x35: {  	s10 =	sld [smem:$0x3FB9];
	_ =	sdelay $0x3  }
0x36: {  	p1 =	seq.s32 s10, $0x1;
	s10 =	sld [smem:$0x3FBA];
	_ =	sdelay $0x3  }
0x37: {  	[smem:$0x3FBA] =	sst s10  }
0x38: {  	s10 =	sld [smem:$0x3FBB]  }
0x39: {  	_ = 	snop;
	(pc) =	sbr.ind lr, $3  }
0x3a: {  	_ = 	snop  }
0x3b: {  	_ = 	snop  }
0x3c: {  	p2 =	seq.s32 s10, $0x1;
	s10 =	sld [smem:$0x3FBA]  }
0x3d: {  	_ =	shalt  }
0x3e: {  	_ =	shalt  }
0x3f: {  	_ =	shalt  }
0x40: {  	_ =	shalt  }
0x41: {  	_ =	shalt  }
0x42: {  	_ =	shalt  }
0x43: {  	_ =	shalt  }
0x44: {  	_ =	shalt  }
0x45: {  	_ =	shalt  }
0x46: {  	_ =	shalt  }
0x47: {  	_ =	shalt  }
0x48: {  	_ =	shalt  }
0x49: {  	_ =	shalt  }
0x4a: {  	_ =	shalt  }
0x4b: {  	_ =	shalt  }
0x4c: {  	_ =	shalt  }
0x4d: {  	_ =	shalt  }
0x4e: {  	_ =	shalt  }
0x4f: {  	_ =	shalt  }
0x50: {  	_ =	shalt  }
0x51: {  	_ =	shalt  }
0x52: {  	_ =	shalt  }
0x53: {  	_ =	shalt  }
0x54: {  	_ =	shalt  }
0x55: {  	_ =	shalt  }
0x56: {  	_ =	shalt  }
0x57: {  	_ =	shalt  }
0x58: {  	_ =	shalt  }
0x59: {  	_ =	shalt  }
0x5a: {  	_ =	shalt  }
0x5b: {  	_ =	shalt  }
0x5c: {  	_ =	shalt  }
0x5d: {  	_ =	shalt  }
0x5e: {  	_ =	shalt  }
0x5f: {  	_ =	shalt  }
0x60: {  	_ =	shalt  }
0x61: {  	_ =	shalt  }
0x62: {  	_ =	shalt  }
0x63: {  	_ =	shalt  }
0x64: {  	_ =	shalt  }
0x65: {  	_ =	shalt  }
0x66: {  	_ =	shalt  }
0x67: {  	_ =	shalt  }
0x68: {  	_ =	shalt  }
0x69: {  	_ =	shalt  }
0x6a: {  	_ =	shalt  }
0x6b: {  	_ =	shalt  }
0x6c: {  	_ =	shalt  }
0x6d: {  	_ =	shalt  }
0x6e: {  	_ =	shalt  }
0x6f: {  	_ =	shalt  }
0x70: {  	_ =	shalt  }
0x71: {  	_ =	shalt  }
0x72: {  	_ =	shalt  }
0x73: {  	_ =	shalt  }
0x74: {  	_ =	shalt  }
0x75: {  	_ =	shalt  }
0x76: {  	_ =	shalt  }
0x77: {  	_ =	shalt  }
0x78: {  	_ =	shalt  }
0x79: {  	_ =	shalt  }
0x7a: {  	_ =	shalt  }
0x7b: {  	_ =	shalt  }
0x7c: {  	_ =	shalt  }
0x7d: {  	_ =	shalt  }
0x7e: {  	_ =	shalt  }
0x7f: {  	_ =	shalt  }
0x80: {  	_ =	shalt  }
0x81: {  	_ =	shalt  }
0x82: {  	_ =	shalt  }
0x83: {  	_ =	shalt  }
0x84: {  	_ =	shalt  }
0x85: {  	_ =	shalt  }
0x86: {  	_ =	shalt  }
0x87: {  	_ =	shalt  }
.Lfunc_end0:
.L_simem_size_0:
called_computation.1_lowered:
.L_overlay_start_0:
0x88: {  	s2 =	sld [smem:$0x3FD9]  }
0x89: {  	s3 =	sld [smem:$0x3FFE];
	_ =	sdelay $0x1  }
0x8a: {  	s1 =	srdreg.scid  }
0x8b: {  	s0 =	sand.u32 $0x1, s1  }
0x8c: {  	s17 =	sshll.u32 s0, $0xA;
	s2 =	sadd.s32 s3, s2  }
0x8d: {  	s2 =	sadd.s32 s2, s17  }
0x8e: {  	[smem:$0x3FC6] =	sst s2  }
0x8f: {  	_ = 	snop  }
0x90: {  	s2 =	sld [smem:$0x3FC8]  }
0x91: {  	s18 =	sld [smem:$0x3FD0];
	(tm) =	ssettm $0x1  }
0x92: {  	s4 =	sld [smem:$0x3FFB];
	_ =	sdelay $0x3  }
0x93: {  	_ =	strace s4  }
0x94: {  	s4 =	sld [smem:$0x3FFC];
	_ =	sdelay $0x3  }
0x95: {  	_ =	strace s4  }
0x96: {  	s4 =	sld [smem:$0x3FFD];
	_ =	sdelay $0x3  }
0x97: {  	_ =	strace s4  }
0x98: {  	_ =	strace $0x8FFFFFFF  }
0x99: {  	s19 =	sld [smem:$0x3FDB];
	_ =	sdelay $0x1  }
0x9a: {  	s5 =	simm.s32 $_scs_section_size  }
0x9b: {  	s6 =	simm.s32 $_size__tile_overlayer_lowered;
	s7 =	simm.s32 $_tile_overlayer_lowered  }
0x9c: {  	s22 =	simm.s32 $0x1BFF;
	s21 =	sshll.u32 s7, $0x1;
	s4 =	sadd.s32 s5, s19  }
0x9d: {  	s8 =	simm.s32 $0x0;
	s20 =	sshll.u32 s6, $0x1;
	s6 =	sadd.s32 s21, s4  }
0x9e: {  	[timem:s8], [sflag:s22] =	dma.local [hbm:s6], s20  }
0x9f: {  	_ =	swait.ge [sflag:s22], s20  }
0xa0: {  	s5 =	ssub.s32 $0x0, s20;
	[sflag:s22] =	ssyncset.done $0x0  }
0xa1: {  	[sflag:s22] =	ssyncadd.s32 s5;
	_ =	sdelay $0x1  }
0xa2: {  	s23 =	simm.s32 $0x1B8B  }
0xa3: {  	_ =	swait.ge [sflag:s23], $0x1  }
0xa4: {  	[sflag:s23] =	ssyncset.done $0x0  }
0xa5: {  	s25 =	simm.s32 $0x1B8E;
	s24 =	sld [smem:$0x3FFE];
	[sflag:s23] =	ssyncadd.s32 $0xFFFFFFFF  }
0xa6: {  	s26 =	simm.s32 $execute0_lowered;
	[smem:$0x3FD2] =	sst s25  }
0xa7: {  	s6 =	sshll.u32 s26, $0x1;
	_ =	strace $0x80000046;
	[dreg:$0x1] =	wrdreg $0xFFFFFFFF  }
0xa8: {  	s28 =	simm.s32 $_size_execute0_lowered;
	s4 =	sadd.s32 s4, s6;
	[dreg:$0x0] =	wrdreg $0x0  }
0xa9: {  	s6 =	sshll.u32 s28, $0x1;
	[dreg:$0x2] =	wrdreg s4  }
0xaa: {  	[dreg:$0x3] =	wrdreg s6  }
0xab: {  	[dreg:$0x4] =	wrdreg $0xC0  }
0xac: {  	_ =	task [dreg:s8], $0x5FFFF  }
0xad: {  	[dreg:$0x1] =	wrdreg $0xFFFFFFFF  }
0xae: {  	[dreg:$0x0] =	wrdreg $0x60  }
0xaf: {  	[dreg:$0x2] =	wrdreg s24  }
0xb0: {  	[dreg:$0x3] =	wrdreg s2  }
0xb1: {  	[dreg:$0x4] =	wrdreg s18  }
0xb2: {  	[dreg:$0x5] =	wrdreg $0x9  }
0xb3: {  	_ =	task.clear_ibuf [dreg:s8], $0x6FFFF;
	_ =	strace $0x90000046  }
0xb4: {  	s29 =	simm.s32 $0x9;
	_ =	strace $0x80000048  }
0xb5: {  	_ =	swait.ge [sflag:s29], $0x1  }
0xb6: {  	[sflag:s29] =	ssyncadd.s32 $0xFFFFFFFF  }
0xb7: {  	_ =	strace $0x90000048  }
0xb8: {  	_ =	sfence  }
0xb9: {  	s30 =	sld [smem:$0x0];
	_ =	sdelay $0x2  }
0xba: {  	s31 =	sshll.u32 s1, $0xD;
	s1 =	sshrl.u32 s1, $0x2  }
0xbb: {  	s3 =	sand.u32 $0x4000, s31;
	s1 =	sadd.s32 s1, s30  }
0xbc: {  	s0 =	sor.u32 s3, s0;
	s1 =	sshll.u32 s1, $0x11  }
0xbd: {  	s0 =	sor.u32 s1, s0  }
0xbe: {  	s0 =	sadd.s32 $0x8F2B, s0  }
0xbf: {  	[sflag:s0] =	ssyncadd.remote.s32 $0x1  }
0xc0: {  	_ =	sfence.sel $0xFFFF  }
0xc1: {  	[dreg:$0x0] =	wrdreg $0xFFFFFFFF;
	(pc) =	sbr.abs _section_cstart, $3  }
0xc2: {  	[dreg:$0x1] =	wrdreg $0xFFFFFFFF  }
0xc3: {  	_ =	task.clear_ibuf [dreg:s8], $0x2FFFF;
	_ =	strace $0x9FFFFFFF  }
0xc4: {  	(tm) =	ssettm $0x7FFFFFFF  }
0xc5: {  	_ =	shalt  }
tec
execute0_lowered:
.L_overlay_start_1:
0x0: {  	(tag) =	ssettag $0x1  }
0x1: {  	s3 =	rddreg [dreg:$0x0]  }
0x2: {  	s5 =	rddreg [dreg:$0x1]  }
0x3: {  	s6 =	rddreg [dreg:$0x2]  }
0x4: {  	s2 =	srdreg.scid;
	s0 =	rddreg [dreg:$0x3];
	s1 =	simm.s32 $0x0  }
0x5: {  	s7 =	sand.u32 $0x1, s2;
	[smem:$0x7FF] =	sst s1;
	s2 =	stileid.u32  }
0x6: {  	s3 =	sadd.s32 $0x800, s3;
	s4 =	ssub.s32 $0x2, s7;
	_ =	strace $0x80000047  }
0x7: {  	s9 =	sshll.u32 s2, $0x8;
	s31 =	sshll.u32 s2, $0x5;
	s10 =	sshll.u32 s7, $0x7  }
0x8: {  	s7 =	sshll.u32 s7, $0x4;
	s8 =	sshrl.u32 s4, $0x1;
	s6 =	sadd.s32 s9, s6  }
0x9: {  	s9 =	sadd.s32 s31, s5;
	s8 =	ssub.s32 s4, s8;
	s4 =	sshll.u32 s2, $0x1  }
0xa: {  	s6 =	sadd.s32 s10, s6;
	s7 =	sadd.s32 s7, s9;
	s5 =	smax.u32 s8, $0x1  }
.LBB2_1:
0xb: {  	s8 =	sadd.s32 $0x0, s4  }
0xc: {  	p0 =	sgt.u32 s8, $0xC34F  }
0xd: {  	s8 =	simm.s32 @!p0 $0x0;
	s9 =	simm.s32 @!p0 $0x3  }
0xe: {  	[tilespmem:s8], [sflag:$0x3] =	stream.linear.gather @!p0 [hbm4b:s7+s8], $0x80, $0x38;
	[tilespmem:$0x480] =	vst v63  }
0xf: {  	_ =	swait.ge @!p0 [sflag:s9], $0x80  }
0x10: {  	[sflag:s9] =	ssyncset.done @!p0 $0x0;
	p0 =	por p0, p0  }
0x11: {  	[sflag:s9] =	ssyncadd.s32 @!p0 $0xFFFFFF80;
	s10 =	simm.s32 @!p0 $0x80;
	s11 =	simm.s32 @!p0 $0x1  }
0x12: {  	[tilespmem:s10], [sflag:$0x1] =	stream.indirect.gather @!p0 [hbm4b:s3+s10], $0x8, s8, s10, $0xb8;
	[tilespmem:$0x480] =	vst v63  }
0x13: {  	_ =	swait.ge @!p0 [sflag:s11], $0x400  }
0x14: {  	[sflag:s11] =	ssyncset.done @!p0 $0x0  }
0x15: {  	s31 =	sadd.s32 $0x20, s4;
	[sflag:s11] =	ssyncadd.s32 @!p0 $0xFFFFFC00;
	s11 =	simm.s32 @!p0 $0x2  }
0x16: {  	[hbm4b:s6+s8] =	stream.linear.scatter @!p0 [tilespmem:s10], [sflag:$0x2], $0x400, $0x38;
	[tilespmem:$0x480] =	vst v63  }
0x17: {  	p1 =	sgt.u32 s31, $0xC34F;
	s9 =	simm.s32 $0x40;
	_ =	swait.ge @!p0 [sflag:s11], $0x400  }
0x18: {  	s10 =	sadd.s32 $0x200, s7;
	s8 =	sadd.s32 $0x1000, s6;
	[sflag:s11] =	ssyncset.done @!p0 $0x0  }
.LBB2_2:
0x19: {  	s12 =	simm.s32 @!p1 $0x0;
	s13 =	simm.s32 @!p1 $0x3;
	[sflag:s11] =	ssyncadd.s32 @!p0 $0xFFFFFC00  }
0x1a: {  	[tilespmem:s12], [sflag:$0x3] =	stream.linear.gather @!p1 [hbm4b:s10+s12], $0x80, $0x38;
	[tilespmem:$0x480] =	vst v63  }
0x1b: {  	s14 =	smov.u32 s9;
	s9 =	sadd.s32 $0x20, s9;
	_ =	swait.ge @!p1 [sflag:s13], $0x80  }
0x1c: {  	p0 =	por p1, p1;
	p2 =	sne.s32 s9, $0xC360;
	[sflag:s13] =	ssyncset.done @!p1 $0x0  }
0x1d: {  	s11 =	simm.s32 @!p0 $0x1;
	[sflag:s13] =	ssyncadd.s32 @!p0 $0xFFFFFF80;
	s13 =	simm.s32 @!p0 $0x80  }
0x1e: {  	[tilespmem:s13], [sflag:$0x1] =	stream.indirect.gather @!p0 [hbm4b:s3+s13], $0x8, s12, s13, $0xb8;
	[tilespmem:$0x480] =	vst v63  }
0x1f: {  	_ =	swait.ge @!p0 [sflag:s11], $0x400  }
.Ltmp0:
0x20: {  	[sflag:s11] =	ssyncset.done @!p0 $0x0;
	(pc) =	sbr.rel @p2 .LBB2_2-.Ltmp0, $4  }
0x21: {  	[sflag:s11] =	ssyncadd.s32 @!p0 $0xFFFFFC00;
	s11 =	simm.s32 @!p0 $0x2  }
0x22: {  	[hbm4b:s8+s12] =	stream.linear.scatter @!p0 [tilespmem:s13], [sflag:$0x2], $0x400, $0x38;
	[tilespmem:$0x480] =	vst v63  }
0x23: {  	s10 =	sadd.s32 $0x200, s10;
	s12 =	sadd.s32 s14, s4;
	_ =	swait.ge @!p0 [sflag:s11], $0x400  }
0x24: {  	s8 =	sadd.s32 $0x1000, s8;
	p1 =	sgt.u32 s12, $0xC34F;
	[sflag:s11] =	ssyncset.done @!p0 $0x0  }
0x25: {  	s9 =	simm.s32 @!p1 $0x0;
	s12 =	simm.s32 @!p1 $0x3;
	[sflag:s11] =	ssyncadd.s32 @!p0 $0xFFFFFC00  }
0x26: {  	[tilespmem:s9], [sflag:$0x3] =	stream.linear.gather @!p1 [hbm4b:s10+s9], $0x80, $0x38;
	[tilespmem:$0x480] =	vst v63  }
0x27: {  	_ =	swait.ge @!p1 [sflag:s12], $0x80  }
0x28: {  	p0 =	por p1, p1;
	[sflag:s12] =	ssyncset.done @!p1 $0x0  }
0x29: {  	s10 =	simm.s32 @!p0 $0x80;
	s11 =	simm.s32 @!p0 $0x1;
	[sflag:s12] =	ssyncadd.s32 @!p0 $0xFFFFFF80  }
0x2a: {  	[tilespmem:s10], [sflag:$0x1] =	stream.indirect.gather @!p0 [hbm4b:s3+s10], $0x8, s9, s10, $0xb8;
	[tilespmem:$0x480] =	vst v63  }
0x2b: {  	s1 =	sadd.s32 $0x1, s1;
	_ =	swait.ge @!p0 [sflag:s11], $0x400  }
0x2c: {  	p1 =	sne.s32 s1, s5;
	[sflag:s11] =	ssyncset.done @!p0 $0x0  }
.Ltmp1:
0x2d: {  	[sflag:s11] =	ssyncadd.s32 @!p0 $0xFFFFFC00;
	s11 =	simm.s32 @!p0 $0x2;
	(pc) =	sbr.rel @p1 .LBB2_1-.Ltmp1, $4  }
0x2e: {  	[hbm4b:s8+s9] =	stream.linear.scatter @!p0 [tilespmem:s10], [sflag:$0x2], $0x400, $0x38;
	[tilespmem:$0x480] =	vst v63  }
0x2f: {  	_ =	swait.ge @!p0 [sflag:s11], $0x400  }
0x30: {  	[sflag:s11] =	ssyncset.done @!p0 $0x0  }
0x31: {  	[sflag:s11] =	ssyncadd.s32 @!p0 $0xFFFFFC00  }
0x32: {  	_ =	sfence.sel $0x180000  }
0x33: {  	[bflag:$0x0] =	sbarrier.arrive $0xFFFF  }
0x34: {  	p0 =	sne.s32 s2, $0x0;
	_ =	strace $0x90000047  }
0x35: {  	s0 =	sadd.s32 @!p0 $0x100000, s0;
	[bflag:$0x2] =	sbarrier.arrive $0xFFFF  }
0x36: {  	[sflag:s0] =	ssyncadd.tile.s32 @!p0 $0x1;
	_ =	shalt  }
.Lfunc_end2:
_tile_overlayer_lowered:
.L_overlay_start_2:
0x37: {  	(tag) =	ssettag $0x2  }
0x38: {  	s0 =	rddreg [dreg:$0x0];
	s2 =	stileid.u32  }
0x39: {  	s1 =	rddreg [dreg:$0x1];
	p0 =	sne.s32 s2, $0x0  }
0x3a: {  	s3 =	rddreg [dreg:$0x2];
	[bflag:$0x3] =	sbarrier.arrive $0xFFFF;
	s2 =	simm.s32 @!p0 $0x1C02  }
0x3b: {  	[timem:s3], [sflag:s2] =	dma.local @!p0 [hbm:s0], s1  }
0x3c: {  	s0 =	simm.s32 @!p0 $0x2  }
0x3d: {  	_ =	swait.ge @!p0 [sflag:s0], s1  }
0x3e: {  	s1 =	ssub.s32 @!p0 $0x0, s1;
	[sflag:s0] =	ssyncset.done @!p0 $0x0  }
0x3f: {  	[sflag:s0] =	ssyncadd.s32 @!p0 s1  }
0x40: {  	[bflag:$0x3] =	sbarrier.arrive $0xFFFF  }
0x41: {  	_ =	shalt  }

// kernel: sparse-core-data-format-call.cloned.1.call-start
scs
called_computation_lowered:
.L_overlay_start_0:
0x0: {  	s2 =	sld [smem:$0x3FD9]  }
0x1: {  	s3 =	sld [smem:$0x3FFE];
	_ =	sdelay $0x1  }
0x2: {  	s1 =	srdreg.scid  }
0x3: {  	s0 =	sand.u32 $0x1, s1  }
0x4: {  	s18 =	sshll.u32 s0, $0xA;
	s2 =	sadd.s32 s3, s2  }
0x5: {  	s2 =	sadd.s32 s2, s18  }
0x6: {  	[smem:$0x3FC6] =	sst s2  }
0x7: {  	_ = 	snop  }
0x8: {  	s2 =	sld [smem:$0x3FD0];
	(tm) =	ssettm $0x1  }
0x9: {  	s19 =	sld [smem:$0x3FFB];
	_ =	sdelay $0x3  }
0xa: {  	_ =	strace s19  }
0xb: {  	s3 =	sld [smem:$0x3FFC];
	_ =	sdelay $0x3  }
0xc: {  	_ =	strace s3  }
0xd: {  	s3 =	sld [smem:$0x3FFD];
	_ =	sdelay $0x3  }
0xe: {  	_ =	strace s3  }
0xf: {  	_ =	strace $0x8FFFFFFF  }
0x10: {  	s20 =	sld [smem:$0x3FDB];
	_ =	sdelay $0x1  }
0x11: {  	s4 =	simm.s32 $_scs_section_size  }
0x12: {  	s5 =	simm.s32 $_size__tile_overlayer_lowered;
	s6 =	simm.s32 $_tile_overlayer_lowered  }
0x13: {  	s23 =	simm.s32 $0x1BFF;
	s22 =	sshll.u32 s6, $0x1;
	s3 =	sadd.s32 s4, s20  }
0x14: {  	s7 =	simm.s32 $0x0;
	s21 =	sshll.u32 s5, $0x1;
	s5 =	sadd.s32 s22, s3  }
0x15: {  	[timem:s7], [sflag:s23] =	dma.local [hbm:s5], s21  }
0x16: {  	_ =	swait.ge [sflag:s23], s21  }
0x17: {  	s4 =	ssub.s32 $0x0, s21;
	[sflag:s23] =	ssyncset.done $0x0  }
0x18: {  	[sflag:s23] =	ssyncadd.s32 s4;
	_ =	sdelay $0x1  }
0x19: {  	s24 =	simm.s32 $0x1B8B  }
0x1a: {  	_ =	swait.ge [sflag:s24], $0x1  }
0x1b: {  	[sflag:s24] =	ssyncset.done $0x0  }
0x1c: {  	s26 =	simm.s32 $0x1B8E;
	s25 =	sld [smem:$0x3FFE];
	[sflag:s24] =	ssyncadd.s32 $0xFFFFFFFF  }
0x1d: {  	s27 =	simm.s32 $execute0_lowered;
	[smem:$0x3FD2] =	sst s26  }
0x1e: {  	s5 =	sshll.u32 s27, $0x1;
	_ =	strace $0x80000049;
	[dreg:$0x1] =	wrdreg $0xFFFFFFFF  }
0x1f: {  	s28 =	simm.s32 $_size_execute0_lowered;
	s3 =	sadd.s32 s3, s5;
	[dreg:$0x0] =	wrdreg $0x0  }
0x20: {  	s5 =	sshll.u32 s28, $0x1;
	[dreg:$0x2] =	wrdreg s3  }
0x21: {  	[dreg:$0x3] =	wrdreg s5  }
0x22: {  	[dreg:$0x4] =	wrdreg $0xC0  }
0x23: {  	_ =	task [dreg:s7], $0x5FFFF  }
0x24: {  	[dreg:$0x1] =	wrdreg $0xFFFFFFFF  }
0x25: {  	[dreg:$0x0] =	wrdreg $0x60  }
0x26: {  	[dreg:$0x2] =	wrdreg s25  }
0x27: {  	[dreg:$0x3] =	wrdreg s2  }
0x28: {  	[dreg:$0x4] =	wrdreg $0x9  }
0x29: {  	_ =	task.clear_ibuf [dreg:s7], $0x5FFFF;
	_ =	strace $0x90000049  }
0x2a: {  	s29 =	simm.s32 $0x9;
	_ =	strace $0x8000004B  }
0x2b: {  	_ =	swait.ge [sflag:s29], $0x1  }
0x2c: {  	[sflag:s29] =	ssyncadd.s32 $0xFFFFFFFF  }
0x2d: {  	_ =	strace $0x9000004B  }
0x2e: {  	_ =	sfence  }
0x2f: {  	s30 =	sld [smem:$0x0];
	_ =	sdelay $0x2  }
0x30: {  	s31 =	sshll.u32 s1, $0xD;
	s1 =	sshrl.u32 s1, $0x2  }
0x31: {  	s3 =	sand.u32 $0x4000, s31;
	s1 =	sadd.s32 s1, s30  }
0x32: {  	s0 =	sor.u32 s3, s0;
	s1 =	sshll.u32 s1, $0x11  }
0x33: {  	s0 =	sor.u32 s1, s0  }
0x34: {  	s0 =	sadd.s32 $0x8F2B, s0  }
0x35: {  	[sflag:s0] =	ssyncadd.remote.s32 $0x1  }
0x36: {  	_ =	sfence.sel $0xFFFF  }
0x37: {  	[dreg:$0x0] =	wrdreg $0xFFFFFFFF;
	(pc) =	sbr.abs _section_cstart, $3  }
0x38: {  	[dreg:$0x1] =	wrdreg $0xFFFFFFFF  }
0x39: {  	_ =	task.clear_ibuf [dreg:s7], $0x2FFFF;
	_ =	strace $0x9FFFFFFF  }
0x3a: {  	(tm) =	ssettm $0x7FFFFFFF  }
0x3b: {  	_ =	shalt  }
tec
execute0_lowered:
.L_overlay_start_1:
0x0: {  	(tag) =	ssettag $0x1  }
0x1: {  	s0 =	srdreg.scid  }
0x2: {  	s1 =	sshll.u32 s0, $0x4  }
0x3: {  	s6 =	rddreg [dreg:$0x0];
	s0 =	stileid.u32;
	s1 =	sand.u32 $0x10, s1  }
0x4: {  	s3 =	rddreg [dreg:$0x1];
	s1 =	sor.u32 s0, s1  }
0x5: {  	s7 =	simm.s32 $0x1;
	s8 =	simm.s32 $0x2;
	s2 =	sshll.u32 s1, $0x7  }
0x6: {  	s10 =	simm.s32 $0x0;
	s9 =	simm.s32 $0x0;
	s5 =	ssub.s32 $0x61A800, s2  }
.Ltmp0:
0x7: {  	s6 =	sadd.s32 $0x800, s6;
	s4 =	sand.u32 $0xF80, s5;
	(pc) =	sbr.rel .LBB1_1-.Ltmp0, $4  }
0x8: {  	s1 =	rddreg [dreg:$0x2];
	_ =	strace $0x8000004A;
	p0 =	sne.s32 s4, $0x0  }
0x9: {  	s5 =	sshrl.u32 s5, $0xC;
	s4 =	simm.s32 $0x1;
	s7 =	simm.s32 @!p0 $0x0  }
0xa: {  	[sflag:s4] =	ssyncpa.u1 $0x0;
	p0 =	por $0x0, $0x0;
	s5 =	sadd.s32 s7, s5  }
0xb: {  	[sflag:s8] =	ssyncpa.u1 $0x0;
	s8 =	smov.u32 s2;
	s7 =	sadd.s32 $0x1, s5  }
.LBB1_4:
0xc: {  	[tilespmem:s20+$0xFFFFFFFA ss:$0x81] =	vst.msk $0xff, v4  }
0xd: {  	v4 =	vld.msk [tilespmem:s22+$0xFFFFFFF0], $0xff;
	_ =	sdelay $0x3  }
0xe: {  	[tilespmem:s17+$0xFFFFFFFB ss:$0x81] =	vst.msk $0xff, v3  }
0xf: {  	v3 =	vld.msk [tilespmem:s19+$0xFFFFFFF8], $0xff;
	[tilespmem:s20+$0xFFFFFFFB ss:$0x81] =	vst.msk $0xff, v4  }
0x10: {  	v4 =	vld.msk [tilespmem:s22+$0xFFFFFFF8], $0xff;
	_ =	sdelay $0x3  }
0x11: {  	v5 =	vld.msk [tilespmem:s18+$0x0], $0xff;
	[tilespmem:s17+$0xFFFFFFFC ss:$0x81] =	vst.msk $0xff, v3  }
0x12: {  	v3 =	vld.msk [tilespmem:s19+$0x0], $0xff;
	[tilespmem:s20+$0xFFFFFFFC ss:$0x81] =	vst.msk $0xff, v4  }
0x13: {  	v4 =	vld.msk [tilespmem:s22+$0x0], $0xff;
	_ =	sdelay $0x2  }
0x14: {  	[tilespmem:s16+$0xFFFFFFFD ss:$0x81] =	vst.msk $0xff, v5  }
0x15: {  	v5 =	vld.msk [tilespmem:s18+$0x8], $0xff;
	[tilespmem:s17+$0xFFFFFFFD ss:$0x81] =	vst.msk $0xff, v3  }
0x16: {  	v3 =	vld.msk [tilespmem:s19+$0x8], $0xff;
	[tilespmem:s20+$0xFFFFFFFD ss:$0x81] =	vst.msk $0xff, v4  }
0x17: {  	v4 =	vld.msk [tilespmem:s22+$0x8], $0xff;
	_ =	sdelay $0x1  }
0x18: {  	[tilespmem:s13+$0xFFFFFFFE ss:$0x81] =	vst.msk $0xff, v2  }
0x19: {  	v2 =	vld.msk [tilespmem:s15+$0x10], $0xff;
	[tilespmem:s16+$0xFFFFFFFE ss:$0x81] =	vst.msk $0xff, v5  }
0x1a: {  	v5 =	vld.msk [tilespmem:s18+$0x10], $0xff;
	[tilespmem:s17+$0xFFFFFFFE ss:$0x81] =	vst.msk $0xff, v3  }
0x1b: {  	v3 =	vld.msk [tilespmem:s19+$0x10], $0xff;
	[tilespmem:s20+$0xFFFFFFFE ss:$0x81] =	vst.msk $0xff, v4  }
0x1c: {  	v4 =	vld.msk [tilespmem:s22+$0x10], $0xff  }
0x1d: {  	[tilespmem:s12+$0xFFFFFFFF ss:$0x81] =	vst.msk $0xff, v1  }
0x1e: {  	v1 =	vld.msk [tilespmem:s14+$0x18], $0xff;
	[tilespmem:s13+$0xFFFFFFFF ss:$0x81] =	vst.msk $0xff, v2  }
0x1f: {  	s25 =	sshll.u32 s10, $0x3;
	v2 =	vld.msk [tilespmem:s15+$0x18], $0xff;
	[tilespmem:s16+$0xFFFFFFFF ss:$0x81] =	vst.msk $0xff, v5  }
0x20: {  	s26 =	sshrl.u32 s25, $0xB;
	v61 =	vld.msk [tilespmem:s18+$0x18], $0xff;
	[tilespmem:s17+$0xFFFFFFFF ss:$0x81] =	vst.msk $0xff, v3  }
0x21: {  	s15 =	smulhi.u32 $0x14F8B6, s26;
	v62 =	vld.msk [tilespmem:s19+$0x18], $0xff;
	[tilespmem:s20+$0xFFFFFFFF ss:$0x81] =	vst.msk $0xff, v4  }
0x22: {  	[tilespmem:s11+$0x0 ss:$0x81] =	vst.msk $0xff, v0;
	s27 =	sand.u32 $0x7F, s10;
	v63 =	vld.msk [tilespmem:s22+$0x18], $0xff  }
0x23: {  	s28 =	sand.u32 $0xFFFFFC00, s25;
	[tilespmem:s12+$0x0 ss:$0x81] =	vst.msk $0xff, v1;
	s29 =	smul.u32 $0x61A800, s15;
	s30 =	sand.u32 $0x7, s15  }
0x24: {  	s10 =	sor.u32 s27, s28;
	s31 =	smul.u32 $0xC3500, s30;
	[tilespmem:s13+$0x0 ss:$0x81] =	vst.msk $0xff, v2  }
0x25: {  	s10 =	ssub.s32 s10, s29;
	[tilespmem:s16+$0x0 ss:$0x81] =	vst.msk $0xff, v61  }
0x26: {  	s12 =	sshrl.u32 s10, $0x3;
	s11 =	sadd.s32 s3, s31;
	[tilespmem:s17+$0x0 ss:$0x81] =	vst.msk $0xff, v62  }
0x27: {  	s10 =	sand.u32 $0x7, s10;
	s11 =	sadd.s32 s12, s11;
	[tilespmem:s20+$0x0 ss:$0x81] =	vst.msk $0xff, v63  }
0x28: {  	[hbm4b:s11+s10] =	stream.linear.scatter [tilespmem:s21], [sflag:$0x2], $0x400, $0x20;
	[tilespmem:$0x1010] =	vst v63  }
.LBB1_5:
0x29: {  	s12 =	sadd.s32 $0x1000, s8  }
0x2a: {  	p2 =	sgt.s32 s12, $0x61A7FF  }
0x2b: {  	s12 =	smov.u32 @p2 s2;
	p2 =	sne.s32 s9, s7  }
.Ltmp1:
0x2c: {  	p1 =	slt.u32 s9, $0x2;
	(pc) =	sbr.rel @!p2 .LBB1_6-.Ltmp1, $4  }
0x2d: {  	s11 =	simm.s32 @!p1 $0x2  }
0x2e: {  	s13 =	sadd.s32 $0x1, s9;
	_ =	swait.ge @!p1 [sflag:s11], $0x400  }
0x2f: {  	s10 =	smov.u32 s8;
	p0 =	por !p0, !p0;
	[sflag:s11] =	ssyncset.done @!p1 $0x0  }
0x30: {  	s9 =	smov.u32 s13;
	s8 =	smov.u32 s12;
	[sflag:s11] =	ssyncadd.s32 @!p1 $0xFFFFFC00  }
.LBB1_1:
0x31: {  	p1 =	sge.u32 s9, s5  }
0x32: {  	s11 =	sand.u32 @!p1 $0x1FFFFFF, s8  }
0x33: {  	s12 =	smulhi.u32 @!p1 $0x14F8B59, s11;
	_ =	sdelay $0x1  }
0x34: {  	s12 =	sshrl.u32 @!p1 s12, $0xF  }
0x35: {  	s12 =	smul.u32 @!p1 $0x61A800, s12;
	_ =	sdelay $0x1  }
0x36: {  	s31 =	sadd.s32 $0xFFFFFFFF, s9;
	s13 =	sxor.u32 @!p1 $0xFFFFFFFF, s9;
	s11 =	ssub.s32 @!p1 s11, s12  }
0x37: {  	s14 =	simm.s32 @!p1 $0x80;
	s13 =	sshll.u32 @!p1 s13, $0xA;
	s11 =	sshll.u32 @!p1 s11, $0x4  }
0x38: {  	s12 =	sand.u32 @!p1 $0x400, s13;
	s13 =	simm.s32 @!p1 $0x8;
	s11 =	sadd.s32 @!p1 s6, s11  }
0x39: {  	[tilespmem:s12], [sflag:$0x1] =	stream.strided.gather @!p1 [hbm4b:s11+s13], $0x400, s14, s13, $0x38;
	[tilespmem:$0x1010] =	vst v63  }
0x3a: {  	p1 =	sge.u32 s31, s5  }
.Ltmp2:
0x3b: {  	_ = 	snop;
	(pc) =	sbr.rel @p1 .LBB1_5-.Ltmp2, $1  }
0x3c: {  	_ =	sdelay $0x3  }
0x3d: {  	s11 =	simm.s32 $0x1  }
0x3e: {  	_ =	swait.ge [sflag:s4], $0x400;
	s11 =	simm.s32 @!p0 $0x0  }
0x3f: {  	[sflag:s4] =	ssyncset.done $0x0;
	s12 =	sshll.u32 s11, $0xA  }
0x40: {  	[sflag:s4] =	ssyncadd.s32 $0xFFFFFC00;
	s20 =	sor.u32 $0x20, s12  }
0x41: {  	v0 =	vld.msk [tilespmem:s20+$0xFFFFFFE0], $0xff  }
0x42: {  	s11 =	smul.u32 $0x1020, s11;
	_ =	sdelay $0x1  }
0x43: {  	s11 =	sshrl.u32 s11, $0x2  }
0x44: {  	s11 =	sor.u32 $0x807, s11  }
0x45: {  	[tilespmem:s11+$0xFFFFFFF9 ss:$0x81] =	vst.msk $0xff, v0  }
0x46: {  	v0 =	vld.msk [tilespmem:s20+$0xFFFFFFE8], $0xff  }
0x47: {  	s14 =	sadd.s32 $0x40, s20  }
0x48: {  	v1 =	vld.msk [tilespmem:s14+$0xFFFFFFE0], $0xff;
	_ =	sdelay $0x2  }
0x49: {  	[tilespmem:s11+$0xFFFFFFFA ss:$0x81] =	vst.msk $0xff, v0  }
0x4a: {  	s12 =	sadd.s32 $0x8, s11;
	v0 =	vld.msk [tilespmem:s20+$0xFFFFFFF0], $0xff  }
0x4b: {  	[tilespmem:s12+$0xFFFFFFF9 ss:$0x81] =	vst.msk $0xff, v1  }
0x4c: {  	v1 =	vld.msk [tilespmem:s14+$0xFFFFFFE8], $0xff  }
0x4d: {  	s15 =	sadd.s32 $0x40, s14  }
0x4e: {  	v2 =	vld.msk [tilespmem:s15+$0xFFFFFFE0], $0xff  }
0x4f: {  	[tilespmem:s11+$0xFFFFFFFB ss:$0x81] =	vst.msk $0xff, v0  }
0x50: {  	v0 =	vld.msk [tilespmem:s20+$0xFFFFFFF8], $0xff  }
0x51: {  	[tilespmem:s12+$0xFFFFFFFA ss:$0x81] =	vst.msk $0xff, v1  }
0x52: {  	s13 =	sadd.s32 $0x8, s12;
	v1 =	vld.msk [tilespmem:s14+$0xFFFFFFF0], $0xff  }
0x53: {  	[tilespmem:s13+$0xFFFFFFF9 ss:$0x81] =	vst.msk $0xff, v2  }
0x54: {  	s18 =	sadd.s32 $0x40, s15;
	v2 =	vld.msk [tilespmem:s15+$0xFFFFFFE8], $0xff  }
0x55: {  	[tilespmem:s11+$0xFFFFFFFC ss:$0x81] =	vst.msk $0xff, v0;
	v0 =	vld.msk [tilespmem:s18+$0xFFFFFFE0], $0xff  }
0x56: {  	v3 =	vld.msk [tilespmem:s20+$0x0], $0xff  }
0x57: {  	[tilespmem:s12+$0xFFFFFFFB ss:$0x81] =	vst.msk $0xff, v1  }
0x58: {  	v1 =	vld.msk [tilespmem:s14+$0xFFFFFFF8], $0xff  }
0x59: {  	s16 =	sadd.s32 $0x8, s13;
	[tilespmem:s13+$0xFFFFFFFA ss:$0x81] =	vst.msk $0xff, v2  }
0x5a: {  	v2 =	vld.msk [tilespmem:s15+$0xFFFFFFF0], $0xff;
	[tilespmem:s16+$0xFFFFFFF9 ss:$0x81] =	vst.msk $0xff, v0  }
0x5b: {  	v0 =	vld.msk [tilespmem:s18+$0xFFFFFFE8], $0xff;
	[tilespmem:s11+$0xFFFFFFFD ss:$0x81] =	vst.msk $0xff, v3  }
0x5c: {  	s19 =	sadd.s32 $0x40, s18;
	v3 =	vld.msk [tilespmem:s20+$0x8], $0xff  }
0x5d: {  	[tilespmem:s12+$0xFFFFFFFC ss:$0x81] =	vst.msk $0xff, v1;
	v1 =	vld.msk [tilespmem:s19+$0xFFFFFFE0], $0xff  }
0x5e: {  	v4 =	vld.msk [tilespmem:s14+$0x0], $0xff  }
0x5f: {  	[tilespmem:s13+$0xFFFFFFFB ss:$0x81] =	vst.msk $0xff, v2  }
0x60: {  	v2 =	vld.msk [tilespmem:s15+$0xFFFFFFF8], $0xff;
	[tilespmem:s16+$0xFFFFFFFA ss:$0x81] =	vst.msk $0xff, v0  }
0x61: {  	s17 =	sadd.s32 $0x8, s16;
	v0 =	vld.msk [tilespmem:s18+$0xFFFFFFF0], $0xff;
	[tilespmem:s11+$0xFFFFFFFE ss:$0x81] =	vst.msk $0xff, v3  }
0x62: {  	[tilespmem:s17+$0xFFFFFFF9 ss:$0x81] =	vst.msk $0xff, v1;
	v1 =	vld.msk [tilespmem:s20+$0x10], $0xff  }
0x63: {  	[tilespmem:s12+$0xFFFFFFFD ss:$0x81] =	vst.msk $0xff, v4;
	v3 =	vld.msk [tilespmem:s19+$0xFFFFFFE8], $0xff  }
0x64: {  	s22 =	sadd.s32 $0x40, s19;
	v4 =	vld.msk [tilespmem:s14+$0x8], $0xff  }
0x65: {  	[tilespmem:s13+$0xFFFFFFFC ss:$0x81] =	vst.msk $0xff, v2;
	v2 =	vld.msk [tilespmem:s22+$0xFFFFFFE0], $0xff  }
0x66: {  	v5 =	vld.msk [tilespmem:s15+$0x0], $0xff;
	[tilespmem:s16+$0xFFFFFFFB ss:$0x81] =	vst.msk $0xff, v0  }
0x67: {  	v6 =	vld.msk [tilespmem:s18+$0xFFFFFFF8], $0xff;
	[tilespmem:s11+$0xFFFFFFFF ss:$0x81] =	vst.msk $0xff, v1  }
0x68: {  	s21 =	sand.u32 $0x1, s9;
	[tilespmem:s17+$0xFFFFFFFA ss:$0x81] =	vst.msk $0xff, v3;
	v0 =	vld.msk [tilespmem:s20+$0x18], $0xff  }
0x69: {  	s21 =	smul.u32 $0x1020, s21;
	[tilespmem:s12+$0xFFFFFFFE ss:$0x81] =	vst.msk $0xff, v4;
	v3 =	vld.msk [tilespmem:s19+$0xFFFFFFF0], $0xff;
	s20 =	sadd.s32 $0x8, s17  }
0x6a: {  	v1 =	vld.msk [tilespmem:s14+$0x10], $0xff;
	[tilespmem:s20+$0xFFFFFFF9 ss:$0x81] =	vst.msk $0xff, v2  }
0x6b: {  	s21 =	sshrl.u32 s21, $0x2;
	[tilespmem:s13+$0xFFFFFFFD ss:$0x81] =	vst.msk $0xff, v5;
	v4 =	vld.msk [tilespmem:s22+$0xFFFFFFE8], $0xff  }
0x6c: {  	s23 =	simm.s32 $0x28;
	s21 =	sor.u32 $0x800, s21;
	s24 =	sadd.s32 $0x40, s22;
	v2 =	vld.msk [tilespmem:s15+$0x8], $0xff;
	[tilespmem:s16+$0xFFFFFFFC ss:$0x81] =	vst.msk $0xff, v6  }
.LBB1_3:
0x6d: {  	v5 =	vld.msk [tilespmem:s24+$0xFFFFFFE0], $0xff;
	[tilespmem:s11+$0x0 ss:$0x81] =	vst.msk $0xff, v0;
	s11 =	smov.u32 s12;
	s12 =	smov.u32 s13;
	s13 =	smov.u32 s16  }
0x6e: {  	s23 =	sadd.s32 $0x8, s23;
	s16 =	smov.u32 s17;
	[tilespmem:s17+$0xFFFFFFFB ss:$0x81] =	vst.msk $0xff, v3;
	v6 =	vld.msk [tilespmem:s18+$0x0], $0xff;
	s17 =	smov.u32 s20  }
0x6f: {  	p1 =	slt.u32 s23, $0x78;
	v7 =	vld.msk [tilespmem:s19+$0xFFFFFFF8], $0xff;
	[tilespmem:s11+$0xFFFFFFFF ss:$0x81] =	vst.msk $0xff, v1  }
.Ltmp3:
0x70: {  	[tilespmem:s20+$0xFFFFFFFA ss:$0x81] =	vst.msk $0xff, v4;
	v0 =	vld.msk [tilespmem:s14+$0x18], $0xff;
	s14 =	smov.u32 s15;
	s15 =	smov.u32 s18;
	(pc) =	sbr.rel @p1 .LBB1_3-.Ltmp3, $4  }
0x71: {  	s20 =	sadd.s32 $0x8, s20;
	s18 =	smov.u32 s19;
	s19 =	smov.u32 s22;
	v3 =	vld.msk [tilespmem:s22+$0xFFFFFFF0], $0xff;
	[tilespmem:s12+$0xFFFFFFFE ss:$0x81] =	vst.msk $0xff, v2  }
0x72: {  	s22 =	smov.u32 s24;
	[tilespmem:s20+$0xFFFFFFF9 ss:$0x81] =	vst.msk $0xff, v5;
	v1 =	vld.msk [tilespmem:s14+$0x10], $0xff  }
0x73: {  	v4 =	vld.msk [tilespmem:s24+$0xFFFFFFE8], $0xff;
	[tilespmem:s13+$0xFFFFFFFD ss:$0x81] =	vst.msk $0xff, v6  }
0x74: {  	s24 =	sadd.s32 $0x40, s24;
	[tilespmem:s16+$0xFFFFFFFC ss:$0x81] =	vst.msk $0xff, v7;
	v2 =	vld.msk [tilespmem:s15+$0x8], $0xff  }
.Ltmp4:
0x75: {  	_ = 	snop;
	(pc) =	sbr.rel .LBB1_4-.Ltmp4, $1  }
0x76: {  	_ =	sdelay $0x3  }
.LBB1_6:
0x77: {  	_ =	sfence.sel $0x180000  }
0x78: {  	s2 =	simm.s32 $0x1;
	[bflag:$0x0] =	sbarrier.arrive $0xFFFF  }
0x79: {  	s31 =	simm.s32 $0x2;
	[sflag:s2] =	ssyncpa.u1 $0x1  }
0x7a: {  	[sflag:s31] =	ssyncpa.u1 $0x1  }
0x7b: {  	p0 =	sne.s32 s0, $0x0;
	_ =	strace $0x9000004A  }
0x7c: {  	s0 =	sadd.s32 @!p0 $0x100000, s1;
	[bflag:$0x2] =	sbarrier.arrive $0xFFFF  }
0x7d: {  	[sflag:s0] =	ssyncadd.tile.s32 @!p0 $0x1;
	_ =	shalt  }
.Lfunc_end1:
_tile_overlayer_lowered:
.L_overlay_start_2:
0x7e: {  	(tag) =	ssettag $0x2  }
0x7f: {  	s0 =	rddreg [dreg:$0x0];
	s2 =	stileid.u32  }
0x80: {  	s1 =	rddreg [dreg:$0x1];
	p0 =	sne.s32 s2, $0x0  }
0x81: {  	s3 =	rddreg [dreg:$0x2];
	[bflag:$0x3] =	sbarrier.arrive $0xFFFF;
	s2 =	simm.s32 @!p0 $0x1C01  }
0x82: {  	[timem:s3], [sflag:s2] =	dma.local @!p0 [hbm:s0], s1  }
0x83: {  	s0 =	simm.s32 @!p0 $0x1  }
0x84: {  	_ =	swait.ge @!p0 [sflag:s0], s1  }
0x85: {  	s1 =	ssub.s32 @!p0 $0x0, s1;
	[sflag:s0] =	ssyncset.done @!p0 $0x0  }
0x86: {  	[sflag:s0] =	ssyncadd.s32 @!p0 s1  }
0x87: {  	[bflag:$0x3] =	sbarrier.arrive $0xFFFF  }
0x88: {  	_ =	shalt  }

</sc_bundles>
